<compile_context>
chip_gen: v7x
topology: tpu7x:2x2x1
jax: 0.10.2.dev20260603
libtpu: 0.0.44.dev20260713+nightly
codegen_flags: <defaults>
</compile_context>

<pallas_src>
import functools

import jax
import jax.numpy as jnp
from jax import lax
from jax.experimental import pallas as pl
from jax.experimental.pallas import tpu as pltpu
from jax.experimental.pallas import tpu_sc as plsc

L = 16


@functools.lru_cache(maxsize=None)
def _build(B, V, D, eps):
    info = plsc.get_sparse_core_info()
    NC, NS = info.num_cores, info.num_subcores
    NW = NC * NS
    assert B % NW == 0
    per_w = B // NW
    C = 64
    while per_w % C:
        C //= 2
    n_chunks = per_w // C
    n_sl = D // L
    inv_d = 1.0 / D

    gather_dnums = lax.GatherDimensionNumbers(
        offset_dims=(), collapsed_slice_dims=(0,), start_index_map=(0,))

    def _shuffle(v, perm):
        return lax.gather(v, perm[:, None], gather_dnums, slice_sizes=(1,),
                          mode=lax.GatherScatterMode.PROMISE_IN_BOUNDS)

    mesh = plsc.VectorSubcoreMesh(core_axis_name="c", subcore_axis_name="s")

    @functools.partial(
        pl.kernel,
        mesh=mesh,
        out_type=jax.ShapeDtypeStruct((B, D), jnp.float32),
        scratch_types=[
            pltpu.VMEM((C,), jnp.int32),
            pltpu.VMEM((C, D), jnp.float32),
            pltpu.VMEM((D,), jnp.float32),
            pltpu.VMEM((D,), jnp.float32),
            pltpu.VMEM((D,), jnp.float32),
            pltpu.VMEM((D,), jnp.float32),
            pltpu.SemaphoreType.DMA,
        ],
    )
    def sc_kernel(ids_hbm, table_hbm, scale_hbm, bias_hbm, lnw_hbm, lnb_hbm,
                  out_hbm, idx_v, rows_v, scale_v, bias_v, lnw_v, lnb_v, sem):
        wid = lax.axis_index("s") * NC + lax.axis_index("c")
        base = wid * per_w
        pltpu.sync_copy(scale_hbm, scale_v)
        pltpu.sync_copy(bias_hbm, bias_v)
        pltpu.sync_copy(lnw_hbm, lnw_v)
        pltpu.sync_copy(lnb_hbm, lnb_v)

        def chunk_body(g, carry):
            cbase = base + g * C
            pltpu.sync_copy(ids_hbm.at[pl.ds(cbase, C)], idx_v)
            pltpu.async_copy(table_hbm.at[idx_v], rows_v, sem).wait()

            def row_body(r, carry2):
                def p1(d, acc):
                    s, ss = acc
                    sl = pl.ds(d * L, L)
                    y = rows_v[r, sl] * scale_v[sl] + bias_v[sl]
                    rows_v[r, sl] = y
                    return (s + y, ss + y * y)

                zero = jnp.zeros((L,), jnp.float32)
                s, ss = lax.fori_loop(0, n_sl, p1, (zero, zero))
                for sh in (8, 4, 2, 1):
                    perm = lax.iota(jnp.int32, L) ^ sh
                    s = s + _shuffle(s, perm)
                    ss = ss + _shuffle(ss, perm)
                mean_v = s * inv_d
                var = ss * inv_d - mean_v * mean_v
                x = var + eps
                i = lax.bitcast_convert_type(x, jnp.int32)
                i = 0x5F3759DF - lax.shift_right_logical(i, 1)
                y0 = lax.bitcast_convert_type(i, jnp.float32)
                half_x = 0.5 * x
                for _ in range(3):
                    y0 = y0 * (1.5 - half_x * y0 * y0)
                rstd = y0

                def p2(d, c):
                    sl = pl.ds(d * L, L)
                    y = rows_v[r, sl]
                    rows_v[r, sl] = (y - mean_v) * rstd * lnw_v[sl] + lnb_v[sl]
                    return c

                return lax.fori_loop(0, n_sl, p2, carry2)

            lax.fori_loop(0, C, row_body, 0)
            pltpu.sync_copy(rows_v, out_hbm.at[pl.ds(cbase, C)])
            return carry

        lax.fori_loop(0, n_chunks, chunk_body, 0)

    return sc_kernel


def kernel(input_ids, table, scale, bias, ln_weight, ln_bias):
    bsz, seq = input_ids.shape
    v, d = table.shape
    ids = input_ids.reshape(-1).astype(jnp.int32)
    fn = _build(bsz * seq, v, d, 1e-6)
    out = fn(ids, table, scale, bias, ln_weight, ln_bias)
    return out.reshape(bsz, seq, d)

# --- scband reference (transcript-rebuilt; emitter-appended) ---
"""Pipeline reference for scband-yv-token-embedding-6330781794484 (READ-ONLY COPY).

The authoritative reference and input builder live on the scoring server;
editing this copy changes nothing except your own understanding.
"""

import jax, jax.numpy as jnp
import numpy as np

VOCAB = 100000
HIDDEN = 1024
BATCH = 4
SEQ = 4096
EPS = 1e-06
PAD_IDX = 0


def setup_inputs(seed: int = 0) -> dict:
    key = jax.random.key(seed)
    k_ids, k_tab = jax.random.split(key)
    input_ids = jax.random.randint(k_ids, (BATCH, SEQ), 0, VOCAB, dtype=jnp.int64 if jax.config.jax_enable_x64 else jnp.int32)
    table = jax.random.normal(k_tab, (VOCAB, HIDDEN), dtype=jnp.float32) * 0.02
    table = table.at[PAD_IDX].set(0.0)
    scale = jnp.ones((HIDDEN,), dtype=jnp.float32)
    bias = jnp.zeros((HIDDEN,), dtype=jnp.float32)
    ln_weight = jnp.ones((HIDDEN,), dtype=jnp.float32)
    ln_bias = jnp.zeros((HIDDEN,), dtype=jnp.float32)
    return {"input_ids": input_ids, "table": table, "scale": scale, "bias": bias, "ln_weight": ln_weight, "ln_bias": ln_bias}


def reference(input_ids, table, scale, bias, ln_weight, ln_bias):
    # Embedding lookup (gather)
    emb = jnp.take(table, input_ids, axis=0)
    # Adaptive scaling: x * scale + bias
    emb = emb * scale + bias
    # LayerNorm (biased variance, matches torch)
    mean = jnp.mean(emb, axis=-1, keepdims=True)
    var = jnp.var(emb, axis=-1, keepdims=True)
    emb = (emb - mean) / jnp.sqrt(var + EPS)
    emb = emb * ln_weight + ln_bias
    return emb

if __name__ == "__main__":
    import jax
    _d = setup_inputs()
    print(jax.jit(kernel)(*tuple(_d.values())))

</pallas_src>

<mosaic_0001>
#map = affine_map<(d0, d1) -> (0)>
#map1 = affine_map<(d0, d1) -> (0, 0)>
module attributes {stable_mosaic.version = 14 : i64} {
  func.func @sc_kernel(%arg0: i32, %arg1: i32, %arg2: memref<16384xi32, #tpu.memory_space<hbm>>, %arg3: memref<100000x1024xf32, #tpu.memory_space<hbm>>, %arg4: memref<1024xf32, #tpu.memory_space<hbm>>, %arg5: memref<1024xf32, #tpu.memory_space<hbm>>, %arg6: memref<1024xf32, #tpu.memory_space<hbm>>, %arg7: memref<1024xf32, #tpu.memory_space<hbm>>, %arg8: memref<16384x1024xf32, #tpu.memory_space<hbm>>, %arg9: memref<64xi32, #tpu.memory_space<vmem>>, %arg10: memref<64x1024xf32, #tpu.memory_space<vmem>>, %arg11: memref<1024xf32, #tpu.memory_space<vmem>>, %arg12: memref<1024xf32, #tpu.memory_space<vmem>>, %arg13: memref<1024xf32, #tpu.memory_space<vmem>>, %arg14: memref<1024xf32, #tpu.memory_space<vmem>>, %arg15: memref<!tpu.dma_semaphore, #tpu.memory_space<semaphore_mem>>) attributes {dimension_semantics = [#tpu.dimension_semantics<core_parallel>, #tpu.dimension_semantics<subcore_parallel>], iteration_bounds = array<i64: 2, 16>, scalar_prefetch = 0 : i64, scratch_operands = 7 : i64, tpu.core_type = #tpu.core_type<sc_vector_subcore>, window_params = [{transform_indices = #map}, {transform_indices = #map1}, {transform_indices = #map}, {transform_indices = #map}, {transform_indices = #map}, {transform_indices = #map}, {transform_indices = #map1}]} {
    %mul3A = arith.constant 2 : i32
    %mul3A_0 = arith.muli %arg1, %mul3A : i32
    %add3A = arith.addi %mul3A_0, %arg0 : i32
    %mul3A_1 = arith.constant 512 : i32
    %mul3A_2 = arith.muli %add3A, %mul3A_1 : i32
    "tpu.region"() ({
      %run_scoped3A = tpu.sem_alloc : memref<!tpu.dma_semaphore, #tpu.memory_space<semaphore_mem>>
      tpu.enqueue_dma source(%arg4 : memref<1024xf32, #tpu.memory_space<hbm>>) target(%arg11 : memref<1024xf32, #tpu.memory_space<vmem>>) target_semaphore(%run_scoped3A : memref<!tpu.dma_semaphore, #tpu.memory_space<semaphore_mem>>)
      tpu.wait_dma2 semaphore(%run_scoped3A : memref<!tpu.dma_semaphore, #tpu.memory_space<semaphore_mem>>) src(%arg4 : memref<1024xf32, #tpu.memory_space<hbm>>) dst(%arg11 : memref<1024xf32, #tpu.memory_space<vmem>>)
      tpu.yield
    }) : () -> ()
    "tpu.region"() ({
      %run_scoped3A = tpu.sem_alloc : memref<!tpu.dma_semaphore, #tpu.memory_space<semaphore_mem>>
      tpu.enqueue_dma source(%arg5 : memref<1024xf32, #tpu.memory_space<hbm>>) target(%arg12 : memref<1024xf32, #tpu.memory_space<vmem>>) target_semaphore(%run_scoped3A : memref<!tpu.dma_semaphore, #tpu.memory_space<semaphore_mem>>)
      tpu.wait_dma2 semaphore(%run_scoped3A : memref<!tpu.dma_semaphore, #tpu.memory_space<semaphore_mem>>) src(%arg5 : memref<1024xf32, #tpu.memory_space<hbm>>) dst(%arg12 : memref<1024xf32, #tpu.memory_space<vmem>>)
      tpu.yield
    }) : () -> ()
    "tpu.region"() ({
      %run_scoped3A = tpu.sem_alloc : memref<!tpu.dma_semaphore, #tpu.memory_space<semaphore_mem>>
      tpu.enqueue_dma source(%arg6 : memref<1024xf32, #tpu.memory_space<hbm>>) target(%arg13 : memref<1024xf32, #tpu.memory_space<vmem>>) target_semaphore(%run_scoped3A : memref<!tpu.dma_semaphore, #tpu.memory_space<semaphore_mem>>)
      tpu.wait_dma2 semaphore(%run_scoped3A : memref<!tpu.dma_semaphore, #tpu.memory_space<semaphore_mem>>) src(%arg6 : memref<1024xf32, #tpu.memory_space<hbm>>) dst(%arg13 : memref<1024xf32, #tpu.memory_space<vmem>>)
      tpu.yield
    }) : () -> ()
    "tpu.region"() ({
      %run_scoped3A = tpu.sem_alloc : memref<!tpu.dma_semaphore, #tpu.memory_space<semaphore_mem>>
      tpu.enqueue_dma source(%arg7 : memref<1024xf32, #tpu.memory_space<hbm>>) target(%arg14 : memref<1024xf32, #tpu.memory_space<vmem>>) target_semaphore(%run_scoped3A : memref<!tpu.dma_semaphore, #tpu.memory_space<semaphore_mem>>)
      tpu.wait_dma2 semaphore(%run_scoped3A : memref<!tpu.dma_semaphore, #tpu.memory_space<semaphore_mem>>) src(%arg7 : memref<1024xf32, #tpu.memory_space<hbm>>) dst(%arg14 : memref<1024xf32, #tpu.memory_space<vmem>>)
      tpu.yield
    }) : () -> ()
    %scan3A = arith.constant 0 : i32
    %scan3A_3 = arith.constant 0 : i32
    %scan3A_4 = arith.constant 8 : i32
    %scan3A_5 = arith.addi %scan3A_3, %scan3A_4 : i32
    %scan3A_6 = arith.constant 1 : i32
    scf.for %scan3A_8 = %scan3A_3 to %scan3A_5 step %scan3A_6  : i32 {
      %mul3A_9 = arith.constant 64 : i32
      %mul3A_10 = arith.muli %scan3A_8, %mul3A_9 : i32
      %add3A_11 = arith.addi %mul3A_2, %mul3A_10 : i32
      "tpu.region"() ({
        %run_scoped3A = tpu.sem_alloc : memref<!tpu.dma_semaphore, #tpu.memory_space<semaphore_mem>>
        %dma_start3A_22 = tpu.memref_slice %arg2[%add3A_11] : memref<16384xi32, #tpu.memory_space<hbm>> -> memref<64xi32, #tpu.memory_space<hbm>>
        %dma_start3A_23 = tpu.memref_slice %arg2[%add3A_11] : memref<16384xi32, #tpu.memory_space<hbm>> -> memref<64xi32, #tpu.memory_space<hbm>>
        tpu.enqueue_dma source(%dma_start3A_23 : memref<64xi32, #tpu.memory_space<hbm>>) target(%arg9 : memref<64xi32, #tpu.memory_space<vmem>>) target_semaphore(%run_scoped3A : memref<!tpu.dma_semaphore, #tpu.memory_space<semaphore_mem>>)
        %dma_wait3A_24 = tpu.memref_slice %arg2[%add3A_11] : memref<16384xi32, #tpu.memory_space<hbm>> -> memref<64xi32, #tpu.memory_space<hbm>>
        %dma_wait3A_25 = tpu.memref_slice %arg2[%add3A_11] : memref<16384xi32, #tpu.memory_space<hbm>> -> memref<64xi32, #tpu.memory_space<hbm>>
        tpu.wait_dma2 semaphore(%run_scoped3A : memref<!tpu.dma_semaphore, #tpu.memory_space<semaphore_mem>>) src(%dma_wait3A_25 : memref<64xi32, #tpu.memory_space<hbm>>) dst(%arg9 : memref<64xi32, #tpu.memory_space<vmem>>)
        tpu.yield
      }) : () -> ()
      %dma_start3A = arith.constant 0 : i32
      %dma_start3A_12 = arith.constant 0 : i32
      %dma_start3A_13 = tpu.memref_slice %arg3[%dma_start3A, %dma_start3A_12] : memref<100000x1024xf32, #tpu.memory_space<hbm>> -> memref<100000x1024xf32, #tpu.memory_space<hbm>>
      tpu.enqueue_indirect_dma source(%dma_start3A_13 : memref<100000x1024xf32, #tpu.memory_space<hbm>>) target(%arg10 : memref<64x1024xf32, #tpu.memory_space<vmem>>) offsets(%arg9 : memref<64xi32, #tpu.memory_space<vmem>>) semaphore(%arg15 : memref<!tpu.dma_semaphore, #tpu.memory_space<semaphore_mem>>)
      %dma_wait3A = arith.constant 0 : i32
      %dma_wait3A_14 = arith.constant 0 : i32
      %dma_wait3A_15 = tpu.memref_slice %arg3[%dma_wait3A, %dma_wait3A_14] : memref<100000x1024xf32, #tpu.memory_space<hbm>> -> memref<100000x1024xf32, #tpu.memory_space<hbm>>
      tpu.wait_indirect_dma semaphore(%arg15 : memref<!tpu.dma_semaphore, #tpu.memory_space<semaphore_mem>>) src(%dma_wait3A_15 : memref<100000x1024xf32, #tpu.memory_space<hbm>>) dst(%arg10 : memref<64x1024xf32, #tpu.memory_space<vmem>>)
      %scan3A_16 = arith.constant 0 : i32
      %scan3A_17 = arith.constant 0 : i32
      %scan3A_18 = arith.constant 64 : i32
      %scan3A_19 = arith.addi %scan3A_17, %scan3A_18 : i32
      %scan3A_20 = arith.constant 1 : i32
      scf.for %scan3A_22 = %scan3A_17 to %scan3A_19 step %scan3A_20  : i32 {
        %broadcast_in_dim3A = arith.constant 0.000000e+00 : f32
        %broadcast_in_dim3A_23 = vector.broadcast %broadcast_in_dim3A : f32 to vector<16xf32>
        %scan3A_24 = arith.constant 0 : i32
        %scan3A_25 = arith.constant 64 : i32
        %scan3A_26 = arith.addi %scan3A_24, %scan3A_25 : i32
        %scan3A_27 = arith.constant 1 : i32
        %scan3A_28:2 = scf.for %scan3A_117 = %scan3A_24 to %scan3A_26 step %scan3A_27 iter_args(%scan3A_118 = %broadcast_in_dim3A_23, %scan3A_119 = %broadcast_in_dim3A_23) -> (vector<16xf32>, vector<16xf32>)  : i32 {
          %mul3A_120 = arith.constant 16 : i32
          %mul3A_121 = arith.muli %scan3A_117, %mul3A_120 : i32
          %get3A = arith.index_cast %scan3A_22 : i32 to index
          %get3A_122 = arith.index_cast %mul3A_121 : i32 to index
          %get3A_123 = tpu.vector_load %arg10[%get3A, %get3A_122] {strides = array<i32>} : memref<64x1024xf32, #tpu.memory_space<vmem>>, vector<1x16xf32>,
          %get3A_124 = vector.shape_cast %get3A_123 : vector<1x16xf32> to vector<16xf32>
          %get3A_125 = arith.index_cast %mul3A_121 : i32 to index
          %get3A_126 = tpu.vector_load %arg11[%get3A_125] {strides = array<i32>} : memref<1024xf32, #tpu.memory_space<vmem>>, vector<16xf32>,
          %get3A_127 = vector.shape_cast %get3A_126 : vector<16xf32> to vector<16xf32>
          %mul3A_128 = arith.mulf %get3A_124, %get3A_127 : vector<16xf32>
          %get3A_129 = arith.index_cast %mul3A_121 : i32 to index
          %get3A_130 = tpu.vector_load %arg12[%get3A_129] {strides = array<i32>} : memref<1024xf32, #tpu.memory_space<vmem>>, vector<16xf32>,
          %get3A_131 = vector.shape_cast %get3A_130 : vector<16xf32> to vector<16xf32>
          %add3A_132 = arith.addf %mul3A_128, %get3A_131 : vector<16xf32>
          %swap3A = arith.index_cast %scan3A_22 : i32 to index
          %swap3A_133 = arith.index_cast %mul3A_121 : i32 to index
          %swap3A_134 = tpu.vector_load %arg10[%swap3A, %swap3A_133] {strides = array<i32>} : memref<64x1024xf32, #tpu.memory_space<vmem>>, vector<1x16xf32>,
          %swap3A_135 = vector.shape_cast %swap3A_134 : vector<1x16xf32> to vector<16xf32>
          %swap3A_136 = vector.shape_cast %add3A_132 : vector<16xf32> to vector<1x16xf32>
          tpu.vector_store %arg10[%swap3A, %swap3A_133], %swap3A_136 {strides = array<i32>} : memref<64x1024xf32, #tpu.memory_space<vmem>>, vector<1x16xf32>,
          %add3A_137 = arith.addf %scan3A_118, %add3A_132 : vector<16xf32>
          %mul3A_138 = arith.mulf %add3A_132, %add3A_132 : vector<16xf32>
          %add3A_139 = arith.addf %scan3A_119, %mul3A_138 : vector<16xf32>
          scf.yield %add3A_137, %add3A_139 : vector<16xf32>, vector<16xf32>
        }
        %scan3A_29 = arith.constant 64 : i32
        %iota3A = tpu.iota {dimensions = array<i32: 0>} : vector<16xi32>
        %xor3A = arith.constant 8 : i32
        %xor3A_30 = vector.broadcast %xor3A : i32 to vector<16xi32>
        %xor3A_31 = arith.xori %iota3A, %xor3A_30 : vector<16xi32>
        %broadcast_in_dim3A_32 = vector.shape_cast %xor3A_31 : vector<16xi32> to vector<16x1xi32>
        %gather3A = vector.shape_cast %broadcast_in_dim3A_32 : vector<16x1xi32> to vector<16xi32>
        %gather3A_33 = tpu.dynamic_gather %scan3A_28#0[%gather3A] in [0] : vector<16xf32>, vector<16xi32> -> vector<16xf32>
        %add3A_34 = arith.addf %scan3A_28#0, %gather3A_33 : vector<16xf32>
        %broadcast_in_dim3A_35 = vector.shape_cast %xor3A_31 : vector<16xi32> to vector<16x1xi32>
        %gather3A_36 = vector.shape_cast %broadcast_in_dim3A_35 : vector<16x1xi32> to vector<16xi32>
        %gather3A_37 = tpu.dynamic_gather %scan3A_28#1[%gather3A_36] in [0] : vector<16xf32>, vector<16xi32> -> vector<16xf32>
        %add3A_38 = arith.addf %scan3A_28#1, %gather3A_37 : vector<16xf32>
        %iota3A_39 = tpu.iota {dimensions = array<i32: 0>} : vector<16xi32>
        %xor3A_40 = arith.constant 4 : i32
        %xor3A_41 = vector.broadcast %xor3A_40 : i32 to vector<16xi32>
        %xor3A_42 = arith.xori %iota3A_39, %xor3A_41 : vector<16xi32>
        %broadcast_in_dim3A_43 = vector.shape_cast %xor3A_42 : vector<16xi32> to vector<16x1xi32>
        %gather3A_44 = vector.shape_cast %broadcast_in_dim3A_43 : vector<16x1xi32> to vector<16xi32>
        %gather3A_45 = tpu.dynamic_gather %add3A_34[%gather3A_44] in [0] : vector<16xf32>, vector<16xi32> -> vector<16xf32>
        %add3A_46 = arith.addf %add3A_34, %gather3A_45 : vector<16xf32>
        %broadcast_in_dim3A_47 = vector.shape_cast %xor3A_42 : vector<16xi32> to vector<16x1xi32>
        %gather3A_48 = vector.shape_cast %broadcast_in_dim3A_47 : vector<16x1xi32> to vector<16xi32>
        %gather3A_49 = tpu.dynamic_gather %add3A_38[%gather3A_48] in [0] : vector<16xf32>, vector<16xi32> -> vector<16xf32>
        %add3A_50 = arith.addf %add3A_38, %gather3A_49 : vector<16xf32>
        %iota3A_51 = tpu.iota {dimensions = array<i32: 0>} : vector<16xi32>
        %xor3A_52 = arith.constant 2 : i32
        %xor3A_53 = vector.broadcast %xor3A_52 : i32 to vector<16xi32>
        %xor3A_54 = arith.xori %iota3A_51, %xor3A_53 : vector<16xi32>
        %broadcast_in_dim3A_55 = vector.shape_cast %xor3A_54 : vector<16xi32> to vector<16x1xi32>
        %gather3A_56 = vector.shape_cast %broadcast_in_dim3A_55 : vector<16x1xi32> to vector<16xi32>
        %gather3A_57 = tpu.dynamic_gather %add3A_46[%gather3A_56] in [0] : vector<16xf32>, vector<16xi32> -> vector<16xf32>
        %add3A_58 = arith.addf %add3A_46, %gather3A_57 : vector<16xf32>
        %broadcast_in_dim3A_59 = vector.shape_cast %xor3A_54 : vector<16xi32> to vector<16x1xi32>
        %gather3A_60 = vector.shape_cast %broadcast_in_dim3A_59 : vector<16x1xi32> to vector<16xi32>
        %gather3A_61 = tpu.dynamic_gather %add3A_50[%gather3A_60] in [0] : vector<16xf32>, vector<16xi32> -> vector<16xf32>
        %add3A_62 = arith.addf %add3A_50, %gather3A_61 : vector<16xf32>
        %iota3A_63 = tpu.iota {dimensions = array<i32: 0>} : vector<16xi32>
        %xor3A_64 = arith.constant 1 : i32
        %xor3A_65 = vector.broadcast %xor3A_64 : i32 to vector<16xi32>
        %xor3A_66 = arith.xori %iota3A_63, %xor3A_65 : vector<16xi32>
        %broadcast_in_dim3A_67 = vector.shape_cast %xor3A_66 : vector<16xi32> to vector<16x1xi32>
        %gather3A_68 = vector.shape_cast %broadcast_in_dim3A_67 : vector<16x1xi32> to vector<16xi32>
        %gather3A_69 = tpu.dynamic_gather %add3A_58[%gather3A_68] in [0] : vector<16xf32>, vector<16xi32> -> vector<16xf32>
        %add3A_70 = arith.addf %add3A_58, %gather3A_69 : vector<16xf32>
        %broadcast_in_dim3A_71 = vector.shape_cast %xor3A_66 : vector<16xi32> to vector<16x1xi32>
        %gather3A_72 = vector.shape_cast %broadcast_in_dim3A_71 : vector<16x1xi32> to vector<16xi32>
        %gather3A_73 = tpu.dynamic_gather %add3A_62[%gather3A_72] in [0] : vector<16xf32>, vector<16xi32> -> vector<16xf32>
        %add3A_74 = arith.addf %add3A_62, %gather3A_73 : vector<16xf32>
        %mul3A_75 = arith.constant 9.765625E-4 : f32
        %mul3A_76 = vector.broadcast %mul3A_75 : f32 to vector<16xf32>
        %mul3A_77 = arith.mulf %add3A_70, %mul3A_76 : vector<16xf32>
        %mul3A_78 = arith.constant 9.765625E-4 : f32
        %mul3A_79 = vector.broadcast %mul3A_78 : f32 to vector<16xf32>
        %mul3A_80 = arith.mulf %add3A_74, %mul3A_79 : vector<16xf32>
        %mul3A_81 = arith.mulf %mul3A_77, %mul3A_77 : vector<16xf32>
        %sub3A = arith.subf %mul3A_80, %mul3A_81 : vector<16xf32>
        %add3A_82 = arith.constant 9.99999997E-7 : f32
        %add3A_83 = vector.broadcast %add3A_82 : f32 to vector<16xf32>
        %add3A_84 = arith.addf %sub3A, %add3A_83 : vector<16xf32>
        %bitcast_convert_type3A = tpu.bitcast %add3A_84 : vector<16xf32> -> vector<16xi32>
        %shift_right_logical3A = arith.constant 1 : i32
        %shift_right_logical3A_85 = vector.broadcast %shift_right_logical3A : i32 to vector<16xi32>
        %shift_right_logical3A_86 = arith.shrui %bitcast_convert_type3A, %shift_right_logical3A_85 : vector<16xi32>
        %sub3A_87 = arith.constant 1597463007 : i32
        %sub3A_88 = vector.broadcast %sub3A_87 : i32 to vector<16xi32>
        %sub3A_89 = arith.subi %sub3A_88, %shift_right_logical3A_86 : vector<16xi32>
        %bitcast_convert_type3A_90 = tpu.bitcast %sub3A_89 : vector<16xi32> -> vector<16xf32>
        %mul3A_91 = arith.constant 5.000000e-01 : f32
        %mul3A_92 = vector.broadcast %mul3A_91 : f32 to vector<16xf32>
        %mul3A_93 = arith.mulf %mul3A_92, %add3A_84 : vector<16xf32>
        %mul3A_94 = arith.mulf %mul3A_93, %bitcast_convert_type3A_90 : vector<16xf32>
        %mul3A_95 = arith.mulf %mul3A_94, %bitcast_convert_type3A_90 : vector<16xf32>
        %sub3A_96 = arith.constant 1.500000e+00 : f32
        %sub3A_97 = vector.broadcast %sub3A_96 : f32 to vector<16xf32>
        %sub3A_98 = arith.subf %sub3A_97, %mul3A_95 : vector<16xf32>
        %mul3A_99 = arith.mulf %bitcast_convert_type3A_90, %sub3A_98 : vector<16xf32>
        %mul3A_100 = arith.mulf %mul3A_93, %mul3A_99 : vector<16xf32>
        %mul3A_101 = arith.mulf %mul3A_100, %mul3A_99 : vector<16xf32>
        %sub3A_102 = arith.constant 1.500000e+00 : f32
        %sub3A_103 = vector.broadcast %sub3A_102 : f32 to vector<16xf32>
        %sub3A_104 = arith.subf %sub3A_103, %mul3A_101 : vector<16xf32>
        %mul3A_105 = arith.mulf %mul3A_99, %sub3A_104 : vector<16xf32>
        %mul3A_106 = arith.mulf %mul3A_93, %mul3A_105 : vector<16xf32>
        %mul3A_107 = arith.mulf %mul3A_106, %mul3A_105 : vector<16xf32>
        %sub3A_108 = arith.constant 1.500000e+00 : f32
        %sub3A_109 = vector.broadcast %sub3A_108 : f32 to vector<16xf32>
        %sub3A_110 = arith.subf %sub3A_109, %mul3A_107 : vector<16xf32>
        %mul3A_111 = arith.mulf %mul3A_105, %sub3A_110 : vector<16xf32>
        %scan3A_112 = arith.constant 0 : i32
        %scan3A_113 = arith.constant 64 : i32
        %scan3A_114 = arith.addi %scan3A_112, %scan3A_113 : i32
        %scan3A_115 = arith.constant 1 : i32
        scf.for %scan3A_117 = %scan3A_112 to %scan3A_114 step %scan3A_115  : i32 {
          %mul3A_118 = arith.constant 16 : i32
          %mul3A_119 = arith.muli %scan3A_117, %mul3A_118 : i32
          %get3A = arith.index_cast %scan3A_22 : i32 to index
          %get3A_120 = arith.index_cast %mul3A_119 : i32 to index
          %get3A_121 = tpu.vector_load %arg10[%get3A, %get3A_120] {strides = array<i32>} : memref<64x1024xf32, #tpu.memory_space<vmem>>, vector<1x16xf32>,
          %get3A_122 = vector.shape_cast %get3A_121 : vector<1x16xf32> to vector<16xf32>
          %sub3A_123 = arith.subf %get3A_122, %mul3A_77 : vector<16xf32>
          %mul3A_124 = arith.mulf %sub3A_123, %mul3A_111 : vector<16xf32>
          %get3A_125 = arith.index_cast %mul3A_119 : i32 to index
          %get3A_126 = tpu.vector_load %arg13[%get3A_125] {strides = array<i32>} : memref<1024xf32, #tpu.memory_space<vmem>>, vector<16xf32>,
          %get3A_127 = vector.shape_cast %get3A_126 : vector<16xf32> to vector<16xf32>
          %mul3A_128 = arith.mulf %mul3A_124, %get3A_127 : vector<16xf32>
          %get3A_129 = arith.index_cast %mul3A_119 : i32 to index
          %get3A_130 = tpu.vector_load %arg14[%get3A_129] {strides = array<i32>} : memref<1024xf32, #tpu.memory_space<vmem>>, vector<16xf32>,
          %get3A_131 = vector.shape_cast %get3A_130 : vector<16xf32> to vector<16xf32>
          %add3A_132 = arith.addf %mul3A_128, %get3A_131 : vector<16xf32>
          %swap3A = arith.index_cast %scan3A_22 : i32 to index
          %swap3A_133 = arith.index_cast %mul3A_119 : i32 to index
          %swap3A_134 = tpu.vector_load %arg10[%swap3A, %swap3A_133] {strides = array<i32>} : memref<64x1024xf32, #tpu.memory_space<vmem>>, vector<1x16xf32>,
          %swap3A_135 = vector.shape_cast %swap3A_134 : vector<1x16xf32> to vector<16xf32>
          %swap3A_136 = vector.shape_cast %add3A_132 : vector<16xf32> to vector<1x16xf32>
          tpu.vector_store %arg10[%swap3A, %swap3A_133], %swap3A_136 {strides = array<i32>} : memref<64x1024xf32, #tpu.memory_space<vmem>>, vector<1x16xf32>,
        }
        %scan3A_116 = arith.constant 64 : i32
      }
      %scan3A_21 = arith.constant 64 : i32
      "tpu.region"() ({
        %run_scoped3A = tpu.sem_alloc : memref<!tpu.dma_semaphore, #tpu.memory_space<semaphore_mem>>
        %dma_start3A_22 = arith.constant 0 : i32
        %dma_start3A_23 = tpu.memref_slice %arg8[%add3A_11, %dma_start3A_22] : memref<16384x1024xf32, #tpu.memory_space<hbm>> -> memref<64x1024xf32, #tpu.memory_space<hbm>>
        %dma_start3A_24 = arith.constant 0 : i32
        %dma_start3A_25 = tpu.memref_slice %arg8[%add3A_11, %dma_start3A_24] : memref<16384x1024xf32, #tpu.memory_space<hbm>> -> memref<64x1024xf32, #tpu.memory_space<hbm>>
        tpu.enqueue_dma source(%arg10 : memref<64x1024xf32, #tpu.memory_space<vmem>>) target(%dma_start3A_25 : memref<64x1024xf32, #tpu.memory_space<hbm>>) target_semaphore(%run_scoped3A : memref<!tpu.dma_semaphore, #tpu.memory_space<semaphore_mem>>)
        %dma_wait3A_26 = arith.constant 0 : i32
        %dma_wait3A_27 = tpu.memref_slice %arg8[%add3A_11, %dma_wait3A_26] : memref<16384x1024xf32, #tpu.memory_space<hbm>> -> memref<64x1024xf32, #tpu.memory_space<hbm>>
        %dma_wait3A_28 = arith.constant 0 : i32
        %dma_wait3A_29 = tpu.memref_slice %arg8[%add3A_11, %dma_wait3A_28] : memref<16384x1024xf32, #tpu.memory_space<hbm>> -> memref<64x1024xf32, #tpu.memory_space<hbm>>
        tpu.wait_dma2 semaphore(%run_scoped3A : memref<!tpu.dma_semaphore, #tpu.memory_space<semaphore_mem>>) src(%arg10 : memref<64x1024xf32, #tpu.memory_space<vmem>>) dst(%dma_wait3A_29 : memref<64x1024xf32, #tpu.memory_space<hbm>>)
        tpu.yield
      }) : () -> ()
    }
    %scan3A_7 = arith.constant 8 : i32
    return
  }
}

</mosaic_0001>

<sc_bundles>
// kernel: kernel.3.cloned.1.call-start
scs
__scs_entry_jumppad:
0x0: {  	(pc) =	sbr.rel $0x88, $3  }
0x1: {  	(tag) =	ssettag $0x0;
	lr =	simm.s32 $0x1  }
0x2: {  	[smem:$0x3F9B] =	sst lr;
	_ =	strace $0xD0000000  }
0x3: {  	_ = 	snop  }
0x4: {  	_ = 	snop  }
0x5: {  	_ = 	snop  }
0x6: {  	_ = 	snop  }
0x7: {  	_ = 	snop  }
__scs_overlays_trampoline_lowered:
0x8: {  	[smem:$0x3FAA] =	sst s0  }
0x9: {  	[smem:$0x3FAB] =	sst s1  }
0xa: {  	[smem:$0x3FAC] =	sst s2  }
0xb: {  	[smem:$0x3FAD] =	sst s3  }
0xc: {  	[smem:$0x3FAE] =	sst s4  }
0xd: {  	[smem:$0x3FAF] =	sst s5  }
0xe: {  	[smem:$0x3FB0] =	sst s6  }
0xf: {  	[smem:$0x3FB1] =	sst s7  }
0x10: {  	[smem:$0x3FB2] =	sst s8  }
0x11: {  	[smem:$0x3FB3] =	sst s9;
	s0 =	simm.s32 @!p0 $0x0  }
0x12: {  	s1 =	sld [smem:$0x3F99];
	s0 =	simm.s32 @p0 $0x1  }
0x13: {  	[smem:$0x3FB4] =	sst s0;
	s0 =	simm.s32 @!p1 $0x0  }
0x14: {  	s2 =	sld [smem:$0x3F98];
	s0 =	simm.s32 @p1 $0x1  }
0x15: {  	[smem:$0x3FB5] =	sst s0;
	s0 =	simm.s32 @!p2 $0x0  }
0x16: {  	s3 =	sld [smem:$0x3FDB];
	s0 =	simm.s32 @p2 $0x1  }
0x17: {  	s4 =	simm.s32 $0x1BF5;
	[smem:$0x3FB7] =	sst s0  }
0x18: {  	s0 =	sld [smem:$0x3F9A];
	_ =	swait.ge [sflag:s4], $0x0  }
0x19: {  	s7 =	sld [smem:$0x3F9B]  }
0x1a: {  	s8 =	sadd.s32 $0xFFFFE003, lr  }
0x1b: {  	s9 =	sadd.s32 $0xFFFFFEF7, lr;
	s5 =	simm.s32 $0xFFFFFFFF;
	p2 =	slt.u32 s8, $0xFFFFF086  }
0x1c: {  	p1 =	slt.u32 s9, $0xF7A;
	s5 =	simm.s32 @!p2 $0x0  }
0x1d: {  	s5 =	simm.s32 @p1 $0x1;
	p0 =	seq.s32 s7, s2  }
0x1e: {  	s7 =	smul.u32 @!p0 $0xF7A, s2;
	p2 =	seq.s32 @!p0 s5, $0x0  }
0x1f: {  	s9 =	smul.u32 $0xF7A, s1;
	s8 =	simm.s32 @!p0 $0x1BF5;
	p2 =	por !p2, p0  }
0x20: {  	[sflag:s8] =	ssyncset.s32 @!p0 $0xFFFFF086;
	s6 =	sadd.s32 @!p0 s3, s7;
	s7 =	simm.s32 @!p0 $0x108  }
0x21: {  	s3 =	sadd.s32 s3, s9;
	s6 =	sadd.s32 @!p0 $0x88, s6;
	s7 =	simm.s32 @p2 $0x1082  }
0x22: {  	[simem:s7], [sflag:s8] =	dma.local @!p0 [hbm:s6], $0xF7A  }
0x23: {  	s9 =	sor.u32 $0xD0000000, s2;
	s6 =	simm.s32 $0x108;
	_ =	swait.ge @!p0 [sflag:s8], $0x0  }
0x24: {  	s3 =	sadd.s32 $0x88, s3;
	s6 =	simm.s32 @!p1 $0x1082;
	[sflag:s4] =	ssyncset.s32 $0xFFFFF086  }
0x25: {  	[simem:s6], [sflag:s4] =	dma.local [hbm:s3], $0xF7A  }
0x26: {  	[smem:$0x3F9B] =	sst s1;
	(tag) =	ssettag s2;
	_ =	strace s9  }
0x27: {  	s1 =	sld [smem:$0x3FAB]  }
0x28: {  	s2 =	sld [smem:$0x3FAC]  }
0x29: {  	s4 =	sld [smem:$0x3FAE]  }
0x2a: {  	p0 =	seq.s32 s5, $0x0;
	s5 =	sld [smem:$0x3FAF]  }
0x2b: {  	s6 =	sld [smem:$0x3FB0]  }
0x2c: {  	s7 =	sld [smem:$0x3FB1]  }
0x2d: {  	s3 =	simm.s32 $0x108;
	s8 =	sld [smem:$0x3FB2]  }
0x2e: {  	s3 =	simm.s32 @!p0 $0x1082;
	s9 =	sld [smem:$0x3FB3]  }
0x2f: {  	lr =	sadd.s32 s0, s3;
	s0 =	sld [smem:$0x3FAA]  }
0x30: {  	s3 =	sld [smem:$0x3FAD]  }
0x31: {  	[smem:$0x3FB6] =	sst s10  }
0x32: {  	s10 =	sld [smem:$0x3FB4];
	_ =	sdelay $0x3  }
0x33: {  	p0 =	seq.s32 s10, $0x1;
	s10 =	sld [smem:$0x3FB6];
	_ =	sdelay $0x3  }
0x34: {  	[smem:$0x3FB6] =	sst s10  }
0x35: {  	s10 =	sld [smem:$0x3FB5];
	_ =	sdelay $0x3  }
0x36: {  	p1 =	seq.s32 s10, $0x1;
	s10 =	sld [smem:$0x3FB6];
	_ =	sdelay $0x3  }
0x37: {  	[smem:$0x3FB6] =	sst s10  }
0x38: {  	s10 =	sld [smem:$0x3FB7]  }
0x39: {  	_ = 	snop;
	(pc) =	sbr.ind lr, $3  }
0x3a: {  	_ = 	snop  }
0x3b: {  	_ = 	snop  }
0x3c: {  	p2 =	seq.s32 s10, $0x1;
	s10 =	sld [smem:$0x3FB6]  }
0x3d: {  	_ =	shalt  }
0x3e: {  	_ =	shalt  }
0x3f: {  	_ =	shalt  }
0x40: {  	_ =	shalt  }
0x41: {  	_ =	shalt  }
0x42: {  	_ =	shalt  }
0x43: {  	_ =	shalt  }
0x44: {  	_ =	shalt  }
0x45: {  	_ =	shalt  }
0x46: {  	_ =	shalt  }
0x47: {  	_ =	shalt  }
0x48: {  	_ =	shalt  }
0x49: {  	_ =	shalt  }
0x4a: {  	_ =	shalt  }
0x4b: {  	_ =	shalt  }
0x4c: {  	_ =	shalt  }
0x4d: {  	_ =	shalt  }
0x4e: {  	_ =	shalt  }
0x4f: {  	_ =	shalt  }
0x50: {  	_ =	shalt  }
0x51: {  	_ =	shalt  }
0x52: {  	_ =	shalt  }
0x53: {  	_ =	shalt  }
0x54: {  	_ =	shalt  }
0x55: {  	_ =	shalt  }
0x56: {  	_ =	shalt  }
0x57: {  	_ =	shalt  }
0x58: {  	_ =	shalt  }
0x59: {  	_ =	shalt  }
0x5a: {  	_ =	shalt  }
0x5b: {  	_ =	shalt  }
0x5c: {  	_ =	shalt  }
0x5d: {  	_ =	shalt  }
0x5e: {  	_ =	shalt  }
0x5f: {  	_ =	shalt  }
0x60: {  	_ =	shalt  }
0x61: {  	_ =	shalt  }
0x62: {  	_ =	shalt  }
0x63: {  	_ =	shalt  }
0x64: {  	_ =	shalt  }
0x65: {  	_ =	shalt  }
0x66: {  	_ =	shalt  }
0x67: {  	_ =	shalt  }
0x68: {  	_ =	shalt  }
0x69: {  	_ =	shalt  }
0x6a: {  	_ =	shalt  }
0x6b: {  	_ =	shalt  }
0x6c: {  	_ =	shalt  }
0x6d: {  	_ =	shalt  }
0x6e: {  	_ =	shalt  }
0x6f: {  	_ =	shalt  }
0x70: {  	_ =	shalt  }
0x71: {  	_ =	shalt  }
0x72: {  	_ =	shalt  }
0x73: {  	_ =	shalt  }
0x74: {  	_ =	shalt  }
0x75: {  	_ =	shalt  }
0x76: {  	_ =	shalt  }
0x77: {  	_ =	shalt  }
0x78: {  	_ =	shalt  }
0x79: {  	_ =	shalt  }
0x7a: {  	_ =	shalt  }
0x7b: {  	_ =	shalt  }
0x7c: {  	_ =	shalt  }
0x7d: {  	_ =	shalt  }
0x7e: {  	_ =	shalt  }
0x7f: {  	_ =	shalt  }
0x80: {  	_ =	shalt  }
0x81: {  	_ =	shalt  }
0x82: {  	_ =	shalt  }
0x83: {  	_ =	shalt  }
0x84: {  	_ =	shalt  }
0x85: {  	_ =	shalt  }
0x86: {  	_ =	shalt  }
0x87: {  	_ =	shalt  }
.Lfunc_end0:
.L_simem_size_0:
called_computation_lowered:
.L_overlay_start_0:
0x88: {  	s2 =	sld [smem:$0x3FD9]  }
0x89: {  	s3 =	sld [smem:$0x3FFE];
	_ =	sdelay $0x1  }
0x8a: {  	s1 =	srdreg.scid  }
0x8b: {  	s0 =	sand.u32 $0x1, s1  }
0x8c: {  	s17 =	sshll.u32 s0, $0xA;
	s2 =	sadd.s32 s3, s2  }
0x8d: {  	s2 =	sadd.s32 s2, s17  }
0x8e: {  	[smem:$0x3FC2] =	sst s2  }
0x8f: {  	_ = 	snop  }
0x90: {  	s2 =	sld [smem:$0x3FC8]  }
0x91: {  	s18 =	sld [smem:$0x3FC7]  }
0x92: {  	s4 =	sld [smem:$0x3FC6]  }
0x93: {  	s5 =	sld [smem:$0x3FC5]  }
0x94: {  	s6 =	sld [smem:$0x3FC4]  }
0x95: {  	s7 =	sld [smem:$0x3FD0];
	(tm) =	ssettm $0x1  }
0x96: {  	s8 =	sld [smem:$0x3FFB];
	_ =	sdelay $0x3  }
0x97: {  	_ =	strace s8  }
0x98: {  	s8 =	sld [smem:$0x3FFC];
	_ =	sdelay $0x3  }
0x99: {  	_ =	strace s8  }
0x9a: {  	s8 =	sld [smem:$0x3FFD];
	_ =	sdelay $0x3  }
0x9b: {  	_ =	strace s8  }
0x9c: {  	_ =	strace $0x8FFFFFFF  }
0x9d: {  	s19 =	sld [smem:$0x3FDB];
	_ =	sdelay $0x1  }
0x9e: {  	s9 =	simm.s32 $_scs_section_size  }
0x9f: {  	s10 =	simm.s32 $_size__tile_overlayer_lowered;
	s11 =	simm.s32 $_tile_overlayer_lowered  }
0xa0: {  	s22 =	simm.s32 $0x1BFF;
	s21 =	sshll.u32 s11, $0x1;
	s8 =	sadd.s32 s9, s19  }
0xa1: {  	s12 =	simm.s32 $0x0;
	s20 =	sshll.u32 s10, $0x1;
	s10 =	sadd.s32 s21, s8  }
0xa2: {  	[timem:s12], [sflag:s22] =	dma.local [hbm:s10], s20  }
0xa3: {  	_ =	swait.ge [sflag:s22], s20  }
0xa4: {  	s9 =	ssub.s32 $0x0, s20;
	[sflag:s22] =	ssyncset.done $0x0  }
0xa5: {  	[sflag:s22] =	ssyncadd.s32 s9;
	_ =	sdelay $0x1  }
0xa6: {  	s23 =	simm.s32 $0x1B8B  }
0xa7: {  	_ =	swait.ge [sflag:s23], $0x1  }
0xa8: {  	[sflag:s23] =	ssyncset.done $0x0  }
0xa9: {  	s25 =	simm.s32 $0x1B8E;
	s24 =	sld [smem:$0x3FFE];
	[sflag:s23] =	ssyncadd.s32 $0xFFFFFFFF  }
0xaa: {  	s26 =	simm.s32 $execute0_lowered;
	[smem:$0x3FD2] =	sst s25  }
0xab: {  	s10 =	sshll.u32 s26, $0x1;
	_ =	strace $0x80000046;
	[dreg:$0x1] =	wrdreg $0xFFFFFFFF  }
0xac: {  	s28 =	simm.s32 $_size_execute0_lowered;
	s8 =	sadd.s32 s8, s10;
	[dreg:$0x0] =	wrdreg $0x0  }
0xad: {  	s10 =	sshll.u32 s28, $0x1;
	[dreg:$0x2] =	wrdreg s8  }
0xae: {  	[dreg:$0x3] =	wrdreg s10  }
0xaf: {  	[dreg:$0x4] =	wrdreg $0xC0  }
0xb0: {  	_ =	task [dreg:s12], $0x5FFFF  }
0xb1: {  	[dreg:$0x1] =	wrdreg $0xFFFFFFFF  }
0xb2: {  	[dreg:$0x0] =	wrdreg $0x60  }
0xb3: {  	[dreg:$0x2] =	wrdreg s24  }
0xb4: {  	[dreg:$0x3] =	wrdreg s2  }
0xb5: {  	[dreg:$0x4] =	wrdreg s18  }
0xb6: {  	[dreg:$0x5] =	wrdreg s4  }
0xb7: {  	[dreg:$0x6] =	wrdreg s5  }
0xb8: {  	[dreg:$0x7] =	wrdreg s6  }
0xb9: {  	[dreg:$0x8] =	wrdreg s7  }
0xba: {  	[dreg:$0x9] =	wrdreg $0x9  }
0xbb: {  	_ =	task.clear_ibuf [dreg:s12], $0xAFFFF;
	_ =	strace $0x90000046  }
0xbc: {  	s29 =	simm.s32 $0x9;
	_ =	strace $0x80000048  }
0xbd: {  	_ =	swait.ge [sflag:s29], $0x1  }
0xbe: {  	[sflag:s29] =	ssyncadd.s32 $0xFFFFFFFF  }
0xbf: {  	_ =	strace $0x90000048  }
0xc0: {  	_ =	sfence  }
0xc1: {  	s30 =	sld [smem:$0x0];
	_ =	sdelay $0x2  }
0xc2: {  	s31 =	sshll.u32 s1, $0xD;
	s1 =	sshrl.u32 s1, $0x2  }
0xc3: {  	s3 =	sand.u32 $0x4000, s31;
	s1 =	sadd.s32 s1, s30  }
0xc4: {  	s0 =	sor.u32 s3, s0;
	s1 =	sshll.u32 s1, $0x11  }
0xc5: {  	s0 =	sor.u32 s1, s0  }
0xc6: {  	s0 =	sadd.s32 $0x8F2B, s0  }
0xc7: {  	[sflag:s0] =	ssyncadd.remote.s32 $0x1  }
0xc8: {  	_ =	sfence.sel $0xFFFF  }
0xc9: {  	[dreg:$0x0] =	wrdreg $0xFFFFFFFF;
	(pc) =	sbr.abs _section_cstart, $3  }
0xca: {  	[dreg:$0x1] =	wrdreg $0xFFFFFFFF  }
0xcb: {  	_ =	task.clear_ibuf [dreg:s12], $0x2FFFF;
	_ =	strace $0x9FFFFFFF  }
0xcc: {  	(tm) =	ssettm $0x7FFFFFFF  }
0xcd: {  	_ =	shalt  }
tec
execute0_lowered:
.L_overlay_start_1:
0x0: {  	(tag) =	ssettag $0x1  }
0x1: {  	v0 =	vimm.s32 $0xBA98FEDC;
	v1 =	vimm.s32 $0x76543210  }
0x2: {  	s0 =	rddreg [dreg:$0x0];
	v2 =	vimm.s32 $0xFEDCBA98;
	v3 =	vimm.s32 $0x32107654;
	v4 =	vimm.s32 $0xDCFE98BA  }
0x3: {  	s1 =	rddreg [dreg:$0x1];
	s2 =	simm.s32 $0x0;
	v5 =	vimm.s32 $0x54761032;
	v6 =	vimm.s32 $0xEFCDAB89;
	v7 =	vimm.s32 $0x67452301  }
0x4: {  	s26 =	srdreg.scid;
	s4 =	stileid.u32;
	s21 =	simm.s32 $0x2;
	vm0 =	vmmov $0xffff;
	v0 =	vunpack.c.l.s4.s8 v0;
	v3 =	vunpack.c.l.s4.s8 v3  }
0x5: {  	s24 =	simm.s32 $0x80;
	s22 =	simm.s32 $0xC880;
	s23 =	simm.s32 $0xD080;
	v1 =	vunpack.c.l.s4.s8 v1;
	v4 =	vunpack.c.l.s4.s8 v4;
	v5 =	vunpack.c.l.s4.s8 v5  }
0x6: {  	s25 =	simm.s32 $0xD880;
	s28 =	simm.s32 $0xE880;
	s29 =	simm.s32 $0xF080;
	v2 =	vunpack.c.l.s4.s8 v2;
	v0 =	vunpack.c.0.s8.s32 v0;
	v3 =	vunpack.c.0.s8.s32 v3  }
0x7: {  	s30 =	simm.s32 $0xF880;
	s7 =	simm.s32 $0x1;
	s20 =	simm.s32 $0x0;
	v6 =	vunpack.c.l.s4.s8 v6;
	v7 =	vunpack.c.l.s4.s8 v7;
	v4 =	vunpack.c.0.s8.s32 v4  }
0x8: {  	s8 =	simm.s32 $0x0;
	[smem:$0x7FF] =	sst s2;
	s2 =	sand.u32 $0x1, s26;
	v5 =	vunpack.c.0.s8.s32 v5;
	v2 =	vunpack.c.0.s8.s32 v2;
	v8 =	vcombine.low v3, v0  }
0x9: {  	s9 =	sadd.s32 $0x400, s0;
	s4 =	sshll.u32 s4, $0xA;
	s31 =	ssub.s32 $0x2, s2;
	v0 =	vunpack.c.0.s8.s32 v6;
	v3 =	vunpack.c.0.s8.s32 v7;
	v6 =	vlaneseq.u32  }
0xa: {  	s11 =	sadd.s32 $0x100, s1;
	s12 =	sadd.s32 $0x200, s1;
	s3 =	sshrl.u32 s31, $0x1;
	v5 =	vcombine.low v5, v4;
	v7 =	vunpack.c.0.s8.s32 v1;
	v4 =	vshrl.u32 v6, $0x3  }
0xb: {  	s13 =	sadd.s32 $0x300, s1;
	s26 =	simm.s32 $0xE080;
	s0 =	ssub.s32 s31, s3;
	v9 =	vcombine.low v3, v0;
	v0 =	vand.u32 $0x7, v6;
	v1 =	vmul.u32 $0x8, v4  }
0xc: {  	_ =	strace $0x80000047;
	s2 =	sshll.u32 s2, $0x9;
	s0 =	smax.u32 s0, $0x1;
	v3 =	vand.u32 $0xF, v2;
	v2 =	vor.u32 $0x8, v6;
	v4 =	vand.u32 $0xF, v8  }
0xd: {  	s10 =	sor.u32 s2, s4;
	s2 =	simm.s32 $0x0;
	[dreg:$0x8] =	wrdreg s0;
	v5 =	vand.u32 $0xF, v5;
	v3 =	vcombine.low v3, v7;
	v6 =	vand.u32 $0xF, v9  }
.LBB2_1:
0xe: {  	[dreg:$0x9] =	wrdreg s2  }
0xf: {  	s0 =	rddreg [dreg:$0x2];
	s6 =	simm.s32 $0x0;
	s3 =	simm.s32 $0x10080  }
0x10: {  	[tilespmem:s3], [sflag:$0x2] =	stream.linear.gather [hbm4b:s0+s6], $0x400, $0x38;
	[tilespmem:$0x11080] =	vst v63  }
0x11: {  	_ =	swait.ge [sflag:s21], $0x400  }
0x12: {  	[sflag:s21] =	ssyncset.done $0x0  }
0x13: {  	[sflag:s21] =	ssyncadd.s32 $0xFFFFFC00  }
0x14: {  	s15 =	simm.s32 $0x10480;
	s14 =	rddreg [dreg:$0x3]  }
0x15: {  	[tilespmem:s15], [sflag:$0x2] =	stream.linear.gather [hbm4b:s14+s6], $0x400, $0x38;
	[tilespmem:$0x11080] =	vst v63  }
0x16: {  	_ =	swait.ge [sflag:s21], $0x400  }
0x17: {  	[sflag:s21] =	ssyncset.done $0x0  }
0x18: {  	[sflag:s21] =	ssyncadd.s32 $0xFFFFFC00  }
0x19: {  	s17 =	simm.s32 $0x10880;
	s16 =	rddreg [dreg:$0x4]  }
0x1a: {  	[tilespmem:s17], [sflag:$0x2] =	stream.linear.gather [hbm4b:s16+s6], $0x400, $0x38;
	[tilespmem:$0x11080] =	vst v63  }
0x1b: {  	_ =	swait.ge [sflag:s21], $0x400  }
0x1c: {  	[sflag:s21] =	ssyncset.done $0x0  }
0x1d: {  	[sflag:s21] =	ssyncadd.s32 $0xFFFFFC00  }
0x1e: {  	s19 =	simm.s32 $0x10C80;
	s18 =	rddreg [dreg:$0x5]  }
0x1f: {  	[tilespmem:s19], [sflag:$0x2] =	stream.linear.gather [hbm4b:s18+s6], $0x400, $0x38;
	[tilespmem:$0x11080] =	vst v63  }
0x20: {  	_ =	swait.ge [sflag:s21], $0x400  }
0x21: {  	[sflag:s21] =	ssyncset.done $0x0  }
0x22: {  	s31 =	simm.s32 $0x0;
	[sflag:s21] =	ssyncadd.s32 $0xFFFFFC00  }
.LBB2_2:
0x23: {  	s0 =	sshll.u32 s31, $0x6  }
0x24: {  	s0 =	sadd.s32 s10, s0  }
0x25: {  	s2 =	sshrl.u32 s0, $0x3  }
0x26: {  	s2 =	sadd.s32 s9, s2  }
0x27: {  	[tilespmem:s8], [sflag:$0x2] =	stream.linear.gather [hbm4b:s2+s8], $0x40, $0x38;
	[tilespmem:$0x11080] =	vst v63  }
0x28: {  	_ =	swait.ge [sflag:s21], $0x40  }
0x29: {  	[sflag:s21] =	ssyncset.done $0x0  }
0x2a: {  	[sflag:s21] =	ssyncadd.s32 $0xFFFFFFC0  }
0x2b: {  	v7 =	vld [tilespmem:$0x0];
	_ =	sdelay $0x4  }
0x2c: {  	v8 =	vshll.u32 v7, $0x3  }
0x2d: {  	v7 =	vand.u32 $0x7, v7;
	v8 =	vand.u32 $0xFFFFFFC0, v8  }
0x2e: {  	v7 =	vor.u32 v7, v8  }
0x2f: {  	v8 =	vperm.xlane v7, v0;
	_ =	sdelay $0x1  }
0x30: {  	v8 =	vadd.s32 v1, v8;
	_ =	sdelay $0x4  }
0x31: {  	[tilespmem:s24], [sflag:$0x1] =	stream.indirect_vreg.gather [hbm4b:s1+s8], $0x80, v8, vm0, $0xb8;
	[tilespmem:$0x11080] =	vst v63  }
0x32: {  	s16 =	simm.s32 $0x880;
	v7 =	vperm.xlane v7, v2  }
0x33: {  	[tilespmem:s16], [sflag:$0x1] =	stream.indirect_vreg.gather [hbm4b:s11+s8], $0x80, v8, vm0, $0xb8;
	[tilespmem:$0x11080] =	vst v63  }
0x34: {  	s17 =	simm.s32 $0x1080;
	v7 =	vadd.s32 v1, v7  }
0x35: {  	[tilespmem:s17], [sflag:$0x1] =	stream.indirect_vreg.gather [hbm4b:s12+s8], $0x80, v8, vm0, $0xb8;
	[tilespmem:$0x11080] =	vst v63  }
0x36: {  	s18 =	simm.s32 $0x1880  }
0x37: {  	[tilespmem:s18], [sflag:$0x1] =	stream.indirect_vreg.gather [hbm4b:s13+s8], $0x80, v8, vm0, $0xb8;
	[tilespmem:$0x11080] =	vst v63  }
0x38: {  	s19 =	simm.s32 $0x2080  }
0x39: {  	[tilespmem:s19], [sflag:$0x1] =	stream.indirect_vreg.gather [hbm4b:s1+s8], $0x80, v7, vm0, $0xb8;
	[tilespmem:$0x11080] =	vst v63  }
0x3a: {  	s3 =	simm.s32 $0x2880  }
0x3b: {  	[tilespmem:s3], [sflag:$0x1] =	stream.indirect_vreg.gather [hbm4b:s11+s8], $0x80, v7, vm0, $0xb8;
	[tilespmem:$0x11080] =	vst v63  }
0x3c: {  	s4 =	simm.s32 $0x3080  }
0x3d: {  	[tilespmem:s4], [sflag:$0x1] =	stream.indirect_vreg.gather [hbm4b:s12+s8], $0x80, v7, vm0, $0xb8;
	[tilespmem:$0x11080] =	vst v63  }
0x3e: {  	s5 =	simm.s32 $0x3880  }
0x3f: {  	[tilespmem:s5], [sflag:$0x1] =	stream.indirect_vreg.gather [hbm4b:s13+s8], $0x80, v7, vm0, $0xb8;
	[tilespmem:$0x11080] =	vst v63  }
0x40: {  	v7 =	vld [tilespmem:$0x10];
	_ =	sdelay $0x4  }
0x41: {  	v8 =	vshll.u32 v7, $0x3  }
0x42: {  	v7 =	vand.u32 $0x7, v7;
	v8 =	vand.u32 $0xFFFFFFC0, v8  }
0x43: {  	v7 =	vor.u32 v7, v8  }
0x44: {  	v8 =	vperm.xlane v7, v0;
	_ =	sdelay $0x1  }
0x45: {  	v8 =	vadd.s32 v1, v8;
	_ =	sdelay $0x3  }
0x46: {  	s6 =	simm.s32 $0x4080  }
0x47: {  	[tilespmem:s6], [sflag:$0x1] =	stream.indirect_vreg.gather [hbm4b:s1+s8], $0x80, v8, vm0, $0xb8;
	[tilespmem:$0x11080] =	vst v63  }
0x48: {  	s14 =	simm.s32 $0x4880;
	v7 =	vperm.xlane v7, v2  }
0x49: {  	[tilespmem:s14], [sflag:$0x1] =	stream.indirect_vreg.gather [hbm4b:s11+s8], $0x80, v8, vm0, $0xb8;
	[tilespmem:$0x11080] =	vst v63  }
0x4a: {  	s15 =	simm.s32 $0x5080;
	v7 =	vadd.s32 v1, v7  }
0x4b: {  	[tilespmem:s15], [sflag:$0x1] =	stream.indirect_vreg.gather [hbm4b:s12+s8], $0x80, v8, vm0, $0xb8;
	[tilespmem:$0x11080] =	vst v63  }
0x4c: {  	s16 =	simm.s32 $0x5880  }
0x4d: {  	[tilespmem:s16], [sflag:$0x1] =	stream.indirect_vreg.gather [hbm4b:s13+s8], $0x80, v8, vm0, $0xb8;
	[tilespmem:$0x11080] =	vst v63  }
0x4e: {  	s17 =	simm.s32 $0x6080  }
0x4f: {  	[tilespmem:s17], [sflag:$0x1] =	stream.indirect_vreg.gather [hbm4b:s1+s8], $0x80, v7, vm0, $0xb8;
	[tilespmem:$0x11080] =	vst v63  }
0x50: {  	s18 =	simm.s32 $0x6880  }
0x51: {  	[tilespmem:s18], [sflag:$0x1] =	stream.indirect_vreg.gather [hbm4b:s11+s8], $0x80, v7, vm0, $0xb8;
	[tilespmem:$0x11080] =	vst v63  }
0x52: {  	s19 =	simm.s32 $0x7080  }
0x53: {  	[tilespmem:s19], [sflag:$0x1] =	stream.indirect_vreg.gather [hbm4b:s12+s8], $0x80, v7, vm0, $0xb8;
	[tilespmem:$0x11080] =	vst v63  }
0x54: {  	s3 =	simm.s32 $0x7880  }
0x55: {  	[tilespmem:s3], [sflag:$0x1] =	stream.indirect_vreg.gather [hbm4b:s13+s8], $0x80, v7, vm0, $0xb8;
	[tilespmem:$0x11080] =	vst v63  }
0x56: {  	v7 =	vld [tilespmem:$0x20];
	_ =	sdelay $0x4  }
0x57: {  	v8 =	vshll.u32 v7, $0x3  }
0x58: {  	v7 =	vand.u32 $0x7, v7;
	v8 =	vand.u32 $0xFFFFFFC0, v8  }
0x59: {  	v7 =	vor.u32 v7, v8  }
0x5a: {  	v8 =	vperm.xlane v7, v0;
	_ =	sdelay $0x1  }
0x5b: {  	v8 =	vadd.s32 v1, v8;
	_ =	sdelay $0x3  }
0x5c: {  	s4 =	simm.s32 $0x8080  }
0x5d: {  	[tilespmem:s4], [sflag:$0x1] =	stream.indirect_vreg.gather [hbm4b:s1+s8], $0x80, v8, vm0, $0xb8;
	[tilespmem:$0x11080] =	vst v63  }
0x5e: {  	s5 =	simm.s32 $0x8880;
	v7 =	vperm.xlane v7, v2  }
0x5f: {  	[tilespmem:s5], [sflag:$0x1] =	stream.indirect_vreg.gather [hbm4b:s11+s8], $0x80, v8, vm0, $0xb8;
	[tilespmem:$0x11080] =	vst v63  }
0x60: {  	s6 =	simm.s32 $0x9080;
	v7 =	vadd.s32 v1, v7  }
0x61: {  	[tilespmem:s6], [sflag:$0x1] =	stream.indirect_vreg.gather [hbm4b:s12+s8], $0x80, v8, vm0, $0xb8;
	[tilespmem:$0x11080] =	vst v63  }
0x62: {  	s14 =	simm.s32 $0x9880  }
0x63: {  	[tilespmem:s14], [sflag:$0x1] =	stream.indirect_vreg.gather [hbm4b:s13+s8], $0x80, v8, vm0, $0xb8;
	[tilespmem:$0x11080] =	vst v63  }
0x64: {  	s15 =	simm.s32 $0xA080  }
0x65: {  	[tilespmem:s15], [sflag:$0x1] =	stream.indirect_vreg.gather [hbm4b:s1+s8], $0x80, v7, vm0, $0xb8;
	[tilespmem:$0x11080] =	vst v63  }
0x66: {  	s16 =	simm.s32 $0xA880  }
0x67: {  	[tilespmem:s16], [sflag:$0x1] =	stream.indirect_vreg.gather [hbm4b:s11+s8], $0x80, v7, vm0, $0xb8;
	[tilespmem:$0x11080] =	vst v63  }
0x68: {  	s17 =	simm.s32 $0xB080  }
0x69: {  	[tilespmem:s17], [sflag:$0x1] =	stream.indirect_vreg.gather [hbm4b:s12+s8], $0x80, v7, vm0, $0xb8;
	[tilespmem:$0x11080] =	vst v63  }
0x6a: {  	s18 =	simm.s32 $0xB880  }
0x6b: {  	[tilespmem:s18], [sflag:$0x1] =	stream.indirect_vreg.gather [hbm4b:s13+s8], $0x80, v7, vm0, $0xb8;
	[tilespmem:$0x11080] =	vst v63  }
0x6c: {  	v7 =	vld [tilespmem:$0x30];
	_ =	sdelay $0x4  }
0x6d: {  	v8 =	vshll.u32 v7, $0x3  }
0x6e: {  	v7 =	vand.u32 $0x7, v7;
	v8 =	vand.u32 $0xFFFFFFC0, v8  }
0x6f: {  	v7 =	vor.u32 v7, v8  }
0x70: {  	v8 =	vperm.xlane v7, v0;
	_ =	sdelay $0x1  }
0x71: {  	v8 =	vadd.s32 v1, v8;
	_ =	sdelay $0x3  }
0x72: {  	s19 =	simm.s32 $0xC080  }
0x73: {  	[tilespmem:s19], [sflag:$0x1] =	stream.indirect_vreg.gather [hbm4b:s1+s8], $0x80, v8, vm0, $0xb8;
	[tilespmem:$0x11080] =	vst v63  }
0x74: {  	v7 =	vperm.xlane v7, v2  }
0x75: {  	[tilespmem:s22], [sflag:$0x1] =	stream.indirect_vreg.gather [hbm4b:s11+s8], $0x80, v8, vm0, $0xb8;
	[tilespmem:$0x11080] =	vst v63  }
0x76: {  	v7 =	vadd.s32 v1, v7  }
0x77: {  	[tilespmem:s23], [sflag:$0x1] =	stream.indirect_vreg.gather [hbm4b:s12+s8], $0x80, v8, vm0, $0xb8;
	[tilespmem:$0x11080] =	vst v63  }
0x78: {  	_ = 	snop  }
0x79: {  	[tilespmem:s25], [sflag:$0x1] =	stream.indirect_vreg.gather [hbm4b:s13+s8], $0x80, v8, vm0, $0xb8;
	[tilespmem:$0x11080] =	vst v63  }
0x7a: {  	_ = 	snop  }
0x7b: {  	[tilespmem:s26], [sflag:$0x1] =	stream.indirect_vreg.gather [hbm4b:s1+s8], $0x80, v7, vm0, $0xb8;
	[tilespmem:$0x11080] =	vst v63  }
0x7c: {  	_ = 	snop  }
0x7d: {  	[tilespmem:s28], [sflag:$0x1] =	stream.indirect_vreg.gather [hbm4b:s11+s8], $0x80, v7, vm0, $0xb8;
	[tilespmem:$0x11080] =	vst v63  }
0x7e: {  	_ = 	snop  }
0x7f: {  	[tilespmem:s29], [sflag:$0x1] =	stream.indirect_vreg.gather [hbm4b:s12+s8], $0x80, v7, vm0, $0xb8;
	[tilespmem:$0x11080] =	vst v63  }
0x80: {  	_ = 	snop  }
0x81: {  	[tilespmem:s30], [sflag:$0x1] =	stream.indirect_vreg.gather [hbm4b:s13+s8], $0x80, v7, vm0, $0xb8;
	[tilespmem:$0x11080] =	vst v63  }
0x82: {  	_ =	swait.ge [sflag:s7], $0x10000  }
0x83: {  	[sflag:s7] =	ssyncset.done $0x0  }
0x84: {  	s2 =	simm.s32 $0x0;
	[sflag:s7] =	ssyncadd.s32 $0xFFFF0000  }
.LBB2_3:
0x85: {  	s4 =	sand.u32 $0x38, s2  }
0x86: {  	s3 =	sshll.u32 s2, $0x7;
	s5 =	sadd.s32 $0x0, s4  }
0x87: {  	s3 =	sand.u32 $0x380, s3;
	s5 =	sshll.u32 s5, $0xA  }
0x88: {  	s3 =	sadd.s32 $0x80, s3;
	s14 =	sand.u32 $0x3FFFFC00, s5  }
0x89: {  	s15 =	sand.u32 $0x70, s8;
	s5 =	simm.s32 $0x10080;
	s14 =	sadd.s32 s14, s3  }
0x8a: {  	v9 =	vld [tilespmem:s5+$0x0];
	s16 =	sadd.s32 s15, s14  }
0x8b: {  	v11 =	vld [tilespmem:s16+$0x0]  }
0x8c: {  	s15 =	simm.s32 $0x10480  }
0x8d: {  	v10 =	vld [tilespmem:s15+$0x0]  }
0x8e: {  	v7 =	vimm.f32 $0.0e+00;
	s18 =	simm.s32 $0x1;
	s17 =	simm.s32 $0x0;
	v8 =	vimm.f32 $0.0e+00;
	s14 =	simm.s32 $0x2  }
.LBB2_4:
0x8f: {  	p0 =	sne.s32 s14, $0x3F  }
0x90: {  	s6 =	sshrl.u32 s18, $0x3;
	s18 =	smov.u32 s14;
	v9 =	vmul.f32 v9, v11  }
0x91: {  	s6 =	sadd.s32 s4, s6  }
0x92: {  	s6 =	sshll.u32 s6, $0xA;
	v9 =	vadd.f32 v10, v9  }
0x93: {  	s17 =	sadd.s32 $0x10, s17;
	s6 =	sand.u32 $0x3FFFFC00, s6  }
0x94: {  	s5 =	sadd.s32 $0x10, s5;
	s19 =	sand.u32 $0x70, s17;
	s6 =	sadd.s32 s6, s3;
	[tilespmem:s16+$0x0] =	vst v9;
	v7 =	vadd.f32 v9, v7;
	v10 =	vmul.f32 v9, v9  }
.Ltmp0:
0x95: {  	s16 =	sadd.s32 s19, s6;
	v9 =	vld [tilespmem:s5+$0x0];
	(pc) =	sbr.rel @p0 .LBB2_4-.Ltmp0, $4  }
0x96: {  	v11 =	vld [tilespmem:s16+$0x0];
	v8 =	vadd.f32 v10, v8  }
0x97: {  	s15 =	sadd.s32 $0x10, s15  }
0x98: {  	v10 =	vld [tilespmem:s15+$0x0]  }
0x99: {  	s14 =	sadd.s32 $0x1, s14  }
0x9a: {  	_ = 	snop  }
0x9b: {  	s6 =	sshrl.u32 s18, $0x3;
	v9 =	vmul.f32 v9, v11  }
0x9c: {  	s6 =	sadd.s32 s4, s6  }
0x9d: {  	s6 =	sshll.u32 s6, $0xA;
	v9 =	vadd.f32 v10, v9  }
0x9e: {  	s14 =	sadd.s32 $0x10, s17;
	s6 =	sand.u32 $0x3FFFFC00, s6  }
0x9f: {  	s5 =	sadd.s32 $0x10, s5;
	s14 =	sand.u32 $0x70, s14;
	s6 =	sadd.s32 s6, s3;
	[tilespmem:s16+$0x0] =	vst v9  }
0xa0: {  	s6 =	sadd.s32 s14, s6;
	v10 =	vld [tilespmem:s5+$0x0]  }
0xa1: {  	v11 =	vld [tilespmem:s6+$0x0]  }
0xa2: {  	s16 =	sadd.s32 $0x10, s15  }
0xa3: {  	v12 =	vld [tilespmem:s16+$0x0];
	_ =	sdelay $0x2  }
0xa4: {  	v10 =	vmul.f32 v10, v11;
	_ =	sdelay $0x1  }
0xa5: {  	v7 =	vadd.f32 v9, v7;
	v9 =	vmul.f32 v9, v9;
	v10 =	vadd.f32 v12, v10;
	_ =	sdelay $0x1  }
0xa6: {  	v8 =	vadd.f32 v9, v8;
	v7 =	vadd.f32 v10, v7;
	v9 =	vmul.f32 v10, v10;
	_ =	sdelay $0x1  }
0xa7: {  	v8 =	vadd.f32 v9, v8;
	v9 =	vperm.xlane v7, v3;
	_ =	sdelay $0x1  }
0xa8: {  	v7 =	vadd.f32 v9, v7;
	v9 =	vperm.xlane v8, v3;
	_ =	sdelay $0x1  }
0xa9: {  	v8 =	vadd.f32 v9, v8;
	v9 =	vperm.xlane v7, v4;
	_ =	sdelay $0x1  }
0xaa: {  	v7 =	vadd.f32 v9, v7;
	v9 =	vperm.xlane v8, v4;
	_ =	sdelay $0x1  }
0xab: {  	v8 =	vadd.f32 v9, v8;
	v9 =	vperm.xlane v7, v5;
	_ =	sdelay $0x1  }
0xac: {  	v7 =	vadd.f32 v9, v7;
	v9 =	vperm.xlane v8, v5;
	_ =	sdelay $0x1  }
0xad: {  	v8 =	vadd.f32 v9, v8;
	v9 =	vperm.xlane v7, v6;
	_ =	sdelay $0x1  }
0xae: {  	v7 =	vadd.f32 v9, v7;
	v9 =	vperm.xlane v8, v6;
	_ =	sdelay $0x1  }
0xaf: {  	v8 =	vadd.f32 v9, v8;
	v7 =	vmul.f32 $9.765625000e-04, v7;
	_ =	sdelay $0x1  }
0xb0: {  	v8 =	vmul.f32 $9.765625000e-04, v8;
	v9 =	vmul.f32 v7, v7;
	_ =	sdelay $0x1  }
0xb1: {  	v8 =	vsub.f32 v8, v9;
	_ =	sdelay $0x1  }
0xb2: {  	v8 =	vadd.f32 $9.999999970e-07, v8;
	_ =	sdelay $0x1  }
0xb3: {  	v9 =	vshrl.u32 v8, $0x1;
	v8 =	vmul.f32 $5.000000000e-01, v8  }
0xb4: {  	v9 =	vsub.s32 $0x5F3759DF, v9  }
0xb5: {  	v11 =	vmul.f32 v9, v8;
	_ =	sdelay $0x1  }
0xb6: {  	v11 =	vmul.f32 v9, v11;
	_ =	sdelay $0x1  }
0xb7: {  	v11 =	vsub.f32 $1.500000000e+00, v11;
	_ =	sdelay $0x1  }
0xb8: {  	v9 =	vmul.f32 v9, v11;
	_ =	sdelay $0x1  }
0xb9: {  	v11 =	vmul.f32 v9, v8;
	_ =	sdelay $0x1  }
0xba: {  	v11 =	vmul.f32 v11, v9  }
0xbb: {  	s17 =	sadd.s32 $0x0, s4  }
0xbc: {  	s18 =	sshll.u32 s17, $0xA;
	v11 =	vsub.f32 $1.500000000e+00, v11  }
0xbd: {  	s14 =	sand.u32 $0x3FFFFC00, s18;
	s5 =	simm.s32 $0x0  }
0xbe: {  	s14 =	sadd.s32 s14, s3;
	s19 =	sand.u32 $0x70, s5;
	v9 =	vmul.f32 v11, v9  }
0xbf: {  	s15 =	sadd.s32 s19, s14;
	[tilespmem:s6+$0x0] =	vst v10  }
0xc0: {  	v10 =	vld [tilespmem:s15+$0x0];
	v8 =	vmul.f32 v9, v8;
	_ =	sdelay $0x1  }
0xc1: {  	v8 =	vmul.f32 v8, v9;
	_ =	sdelay $0x1  }
0xc2: {  	s17 =	simm.s32 $0x10880;
	v8 =	vsub.f32 $1.500000000e+00, v8  }
0xc3: {  	v11 =	vsub.f32 v10, v7;
	v10 =	vld [tilespmem:s17+$0x0]  }
0xc4: {  	s16 =	simm.s32 $0x10C80;
	v8 =	vmul.f32 v8, v9  }
0xc5: {  	v9 =	vld [tilespmem:s16+$0x0]  }
0xc6: {  	v11 =	vmul.f32 v11, v8  }
0xc7: {  	s18 =	simm.s32 $0x0;
	s14 =	simm.s32 $0x2  }
.LBB2_6:
0xc8: {  	p0 =	sne.s32 s14, $0x3F;
	s6 =	sadd.s32 s4, s18;
	v10 =	vmul.f32 v11, v10  }
0xc9: {  	s6 =	sshll.u32 s6, $0xA  }
0xca: {  	s5 =	sadd.s32 $0x10, s5;
	s6 =	sand.u32 $0x3FFFFC00, s6;
	v9 =	vadd.f32 v10, v9  }
0xcb: {  	s18 =	sand.u32 $0x70, s5;
	s6 =	sadd.s32 s6, s3  }
0xcc: {  	[tilespmem:s15+$0x0] =	vst v9;
	s15 =	sadd.s32 s18, s6  }
0xcd: {  	v9 =	vld [tilespmem:s15+$0x0];
	_ =	sdelay $0x2  }
0xce: {  	s17 =	sadd.s32 $0x10, s17  }
.Ltmp1:
0xcf: {  	v10 =	vld [tilespmem:s17+$0x0];
	(pc) =	sbr.rel @p0 .LBB2_6-.Ltmp1, $4  }
0xd0: {  	s16 =	sadd.s32 $0x10, s16;
	v11 =	vsub.f32 v9, v7  }
0xd1: {  	v9 =	vld [tilespmem:s16+$0x0]  }
0xd2: {  	v11 =	vmul.f32 v11, v8  }
0xd3: {  	s18 =	sshrl.u32 s14, $0x3;
	s14 =	sadd.s32 $0x1, s14  }
0xd4: {  	s4 =	sadd.s32 s4, s18;
	v10 =	vmul.f32 v11, v10  }
0xd5: {  	s4 =	sshll.u32 s4, $0xA  }
0xd6: {  	s5 =	sadd.s32 $0x10, s5;
	s4 =	sand.u32 $0x3FFFFC00, s4;
	v9 =	vadd.f32 v10, v9  }
0xd7: {  	s5 =	sand.u32 $0x70, s5;
	s3 =	sadd.s32 s4, s3  }
0xd8: {  	s3 =	sadd.s32 s5, s3;
	[tilespmem:s15+$0x0] =	vst v9  }
0xd9: {  	v9 =	vld [tilespmem:s3+$0x0];
	_ =	sdelay $0x2  }
0xda: {  	s18 =	sadd.s32 $0x10, s17  }
0xdb: {  	v62 =	vld [tilespmem:s18+$0x0]  }
0xdc: {  	s19 =	sadd.s32 $0x10, s16;
	v7 =	vsub.f32 v9, v7  }
0xdd: {  	v63 =	vld [tilespmem:s19+$0x0]  }
0xde: {  	s2 =	sadd.s32 $0x1, s2;
	v7 =	vmul.f32 v7, v8  }
0xdf: {  	p0 =	sne.s32 s2, $0x40  }
.Ltmp2:
0xe0: {  	v7 =	vmul.f32 v7, v62;
	(pc) =	sbr.rel @p0 .LBB2_3-.Ltmp2, $3  }
0xe1: {  	_ = 	snop  }
0xe2: {  	v7 =	vadd.f32 v7, v63;
	_ =	sdelay $0x1  }
0xe3: {  	[tilespmem:s3+$0x0] =	vst v7  }
0xe4: {  	s31 =	sadd.s32 $0x1, s31  }
0xe5: {  	s0 =	sshll.u32 s0, $0x7;
	s2 =	rddreg [dreg:$0x6];
	p0 =	sne.s32 s31, $0x8  }
.Ltmp3:
0xe6: {  	s0 =	sadd.s32 s2, s0;
	(pc) =	sbr.rel @p0 .LBB2_2-.Ltmp3, $4  }
0xe7: {  	[hbm4b:s0+s20] =	stream.linear.scatter [tilespmem:s24], [sflag:$0x2], $0x10000, $0x38;
	[tilespmem:$0x11080] =	vst v63  }
0xe8: {  	_ =	swait.ge [sflag:s21], $0x10000  }
0xe9: {  	[sflag:s21] =	ssyncset.done $0x0  }
0xea: {  	[sflag:s21] =	ssyncadd.s32 $0xFFFF0000  }
0xeb: {  	s2 =	rddreg [dreg:$0x9]  }
0xec: {  	s0 =	rddreg [dreg:$0x8];
	s2 =	sadd.s32 $0x1, s2  }
0xed: {  	p0 =	sne.s32 s2, s0  }
.Ltmp4:
0xee: {  	_ = 	snop;
	(pc) =	sbr.rel @p0 .LBB2_1-.Ltmp4, $1  }
0xef: {  	_ =	sdelay $0x3  }
0xf0: {  	_ =	sfence.sel $0x180000  }
0xf1: {  	[bflag:$0x0] =	sbarrier.arrive $0xFFFF  }
0xf2: {  	_ =	strace $0x90000047  }
0xf3: {  	s0 =	stileid.u32;
	[bflag:$0x2] =	sbarrier.arrive $0xFFFF  }
0xf4: {  	p0 =	sne.s32 s0, $0x0;
	s0 =	rddreg [dreg:$0x7]  }
0xf5: {  	s0 =	sadd.s32 @!p0 $0x100000, s0  }
0xf6: {  	[sflag:s0] =	ssyncadd.tile.s32 @!p0 $0x1;
	_ =	shalt  }
.Lfunc_end2:
_tile_overlayer_lowered:
.L_overlay_start_2:
0xf7: {  	(tag) =	ssettag $0x2  }
0xf8: {  	s0 =	rddreg [dreg:$0x0];
	s2 =	stileid.u32  }
0xf9: {  	s1 =	rddreg [dreg:$0x1];
	p0 =	sne.s32 s2, $0x0  }
0xfa: {  	s3 =	rddreg [dreg:$0x2];
	[bflag:$0x3] =	sbarrier.arrive $0xFFFF;
	s2 =	simm.s32 @!p0 $0x1C02  }
0xfb: {  	[timem:s3], [sflag:s2] =	dma.local @!p0 [hbm:s0], s1  }
0xfc: {  	s0 =	simm.s32 @!p0 $0x2  }
0xfd: {  	_ =	swait.ge @!p0 [sflag:s0], s1  }
0xfe: {  	s1 =	ssub.s32 @!p0 $0x0, s1;
	[sflag:s0] =	ssyncset.done @!p0 $0x0  }
0xff: {  	[sflag:s0] =	ssyncadd.s32 @!p0 s1  }
0x100: {  	[bflag:$0x3] =	sbarrier.arrive $0xFFFF  }
0x101: {  	_ =	shalt  }

</sc_bundles>
